<compile_context>
chip_gen: v7x
topology: tpu7x:2x2x1
jax: 0.10.2.dev20260603
libtpu: 0.0.44.dev20260713+nightly
codegen_flags: <defaults>
</compile_context>

<pallas_src>
import functools

import jax
import jax.numpy as jnp
from jax import lax
from jax.experimental import pallas as pl
from jax.experimental.pallas import tpu as pltpu
from jax.experimental.pallas import tpu_sc as plsc

_B, _N, _M, _K, _C = 4, 16384, 1024, 32, 128
_MB = 64
_MK = _M * _K
_NCH = 3 + _C
_NW = 32
_JOBS = _B * _NCH
_JPW = (_JOBS + _NW - 1) // _NW


def _topk_body(c_ref, p_ref, idx_ref, d_ref):
    cb = c_ref[0]
    pT = p_ref[0]
    cp = jnp.dot(cb, pT, preferred_element_type=jnp.float32)
    fx, fy, fz = cb[:, 0:1], cb[:, 1:2], cb[:, 2:3]
    gx, gy, gz = pT[0:1, :], pT[1:2, :], pT[2:3, :]
    c2 = (fx * fx + fy * fy) + fz * fz
    p2 = (gx * gx + gy * gy) + gz * gz
    d_ref[...] = (c2 + p2) - 2.0 * cp
    iota = lax.broadcasted_iota(jnp.int32, (_MB, _N), 1)
    kio = lax.broadcasted_iota(jnp.int32, (_MB, _K), 1)

    def step(k, carry):
        d = d_ref[...]
        v = jnp.min(d, axis=1, keepdims=True)
        i = jnp.min(jnp.where(d == v, iota, _N), axis=1)
        idx_ref[0] = jnp.where(kio == k, i[:, None], idx_ref[0])
        d_ref[...] = jnp.where(iota == i[:, None], jnp.float32(jnp.inf), d)
        return carry

    lax.fori_loop(0, _K, step, 0)


def _knn_idx_tc(center_xyz, points_T):
    return pl.pallas_call(
        _topk_body,
        grid=(_B, _M // _MB),
        in_specs=[
            pl.BlockSpec((1, _MB, 3), lambda b, i: (b, i, 0)),
            pl.BlockSpec((1, 3, _N), lambda b, i: (b, 0, 0)),
        ],
        out_specs=pl.BlockSpec((1, _MB, _K), lambda b, i: (b, i, 0)),
        out_shape=jax.ShapeDtypeStruct((_B, _M, _K), jnp.int32),
        scratch_shapes=[pltpu.VMEM((_MB, _N), jnp.float32)],
    )(center_xyz, points_T)


@functools.partial(
    pl.kernel,
    out_type=jax.ShapeDtypeStruct((_B, _NCH, _MK), jnp.float32),
    mesh=plsc.VectorSubcoreMesh(core_axis_name="c", subcore_axis_name="s"),
    scratch_types=[
        pltpu.VMEM((_MK,), jnp.int32),
        pltpu.VMEM((_N,), jnp.float32),
        pltpu.VMEM((_M,), jnp.float32),
        pltpu.VMEM((_MK,), jnp.float32),
    ],
    compiler_params=pltpu.CompilerParams(needs_layout_passes=False),
)
def _gather_sc(feat_hbm, pts_hbm, ctr_hbm, idx_hbm, out_hbm,
               idx_v, col_v, ctr_v, out_v):
    cid = lax.axis_index("c")
    sid = lax.axis_index("s")
    wid = sid * 2 + cid
    iota16 = lax.iota(jnp.int32, 16)

    def do_job(t, carry):
        job = wid * _JPW + t

        @pl.when(job < _JOBS)
        def _():
            b = lax.div(job, _NCH)
            c = lax.rem(job, _NCH)
            pltpu.sync_copy(idx_hbm.at[b], idx_v)

            @pl.when(c < 3)
            def _():
                pltpu.sync_copy(pts_hbm.at[b, c], col_v)
                pltpu.sync_copy(ctr_hbm.at[b, c], ctr_v)

                def g(j, carry2):
                    iv = idx_v[pl.ds(j * 16, 16)]
                    vals = plsc.load_gather(col_v, [iv])
                    mpos = lax.shift_right_logical(j * 16 + iota16, 5)
                    cv = plsc.load_gather(ctr_v, [mpos])
                    out_v[pl.ds(j * 16, 16)] = vals - cv
                    return carry2

                lax.fori_loop(0, _MK // 16, g, 0)

            @pl.when(c >= 3)
            def _():
                pltpu.sync_copy(feat_hbm.at[b, c - 3], col_v)

                def g(j, carry2):
                    iv = idx_v[pl.ds(j * 16, 16)]
                    out_v[pl.ds(j * 16, 16)] = plsc.load_gather(col_v, [iv])
                    return carry2

                lax.fori_loop(0, _MK // 16, g, 0)

            pltpu.sync_copy(out_v, out_hbm.at[b, c])
        return carry

    lax.fori_loop(0, _JPW, do_job, 0)


def kernel(points_xyz, center_xyz, features):
    pts_T = jnp.transpose(points_xyz, (0, 2, 1))
    ctr_T = jnp.transpose(center_xyz, (0, 2, 1))
    idx = _knn_idx_tc(center_xyz, pts_T)
    out = _gather_sc(features, pts_T, ctr_T, idx.reshape(_B, _MK))
    return out.reshape(_B, _NCH, _M, _K)

# --- scband reference (transcript-rebuilt; emitter-appended) ---
"""Pipeline reference for scband-query-and-group-23845658427757 (READ-ONLY COPY).

The authoritative reference and input builder live on the scoring server;
editing this copy changes nothing except your own understanding.
"""

import jax, jax.numpy as jnp
import numpy as np

B, N, NPOINT, K, C = 4, 16384, 1024, 32, 128


def setup_inputs(seed: int = 0) -> dict:
    key = jax.random.key(seed)
    k1, k2, k3 = jax.random.split(key, 3)
    points_xyz = jax.random.normal(k1, (B, N, 3), dtype=jnp.float32)
    center_xyz = jax.random.normal(k2, (B, NPOINT, 3), dtype=jnp.float32)
    features = jax.random.normal(k3, (B, C, N), dtype=jnp.float32)
    return {"points_xyz": points_xyz, "center_xyz": center_xyz, "features": features}


def _knn_idx(points_xyz, center_xyz, k):
    # squared euclidean distances (B, NPOINT, N) via matmul expansion
    c2 = jnp.sum(center_xyz * center_xyz, axis=-1)  # (B, NPOINT)
    p2 = jnp.sum(points_xyz * points_xyz, axis=-1)  # (B, N)
    cp = jnp.einsum('bmd,bnd->bmn', center_xyz, points_xyz)  # (B, NPOINT, N)
    d = c2[:, :, None] + p2[:, None, :] - 2.0 * cp
    # k nearest -> top_k of negative distance; idx: (B, NPOINT, k)
    _, idx = jax.lax.top_k(-d, k)
    return idx


def _group(feats, idx):
    # feats: (B, C, N), idx: (B, NPOINT, k) -> (B, C, NPOINT, k)
    return jax.vmap(lambda f, i: f[:, i])(feats, idx)


def reference(points_xyz, center_xyz, features):
    idx = _knn_idx(points_xyz, center_xyz, K)  # (B, NPOINT, K)
    xyz_trans = jnp.transpose(points_xyz, (0, 2, 1))  # (B, 3, N)
    grouped_xyz = _group(xyz_trans, idx)  # (B, 3, NPOINT, K)
    grouped_xyz_diff = grouped_xyz - jnp.transpose(center_xyz, (0, 2, 1))[..., None]
    grouped_features = _group(features, idx)  # (B, C, NPOINT, K)
    new_features = jnp.concatenate([grouped_xyz_diff, grouped_features], axis=1)  # (B, 3+C, NPOINT, K)
    return new_features

if __name__ == "__main__":
    import jax
    _d = setup_inputs()
    print(jax.jit(kernel)(*tuple(_d.values())))

</pallas_src>

<mosaic_0001>
#map = affine_map<(d0, d1) -> (0, 0, 0)>
#map1 = affine_map<(d0, d1) -> (0, 0)>
module attributes {stable_mosaic.version = 14 : i64} {
  func.func @_gather_sc(%arg0: i32, %arg1: i32, %arg2: memref<4x128x16384xf32, #tpu.memory_space<hbm>>, %arg3: memref<4x3x16384xf32, #tpu.memory_space<hbm>>, %arg4: memref<4x3x1024xf32, #tpu.memory_space<hbm>>, %arg5: memref<4x32768xi32, #tpu.memory_space<hbm>>, %arg6: memref<4x131x32768xf32, #tpu.memory_space<hbm>>, %arg7: memref<32768xi32, #tpu.memory_space<vmem>>, %arg8: memref<16384xf32, #tpu.memory_space<vmem>>, %arg9: memref<1024xf32, #tpu.memory_space<vmem>>, %arg10: memref<32768xf32, #tpu.memory_space<vmem>>) attributes {dimension_semantics = [#tpu.dimension_semantics<core_parallel>, #tpu.dimension_semantics<subcore_parallel>], iteration_bounds = array<i64: 2, 16>, scalar_prefetch = 0 : i64, scratch_operands = 4 : i64, tpu.core_type = #tpu.core_type<sc_vector_subcore>, window_params = [{transform_indices = #map}, {transform_indices = #map}, {transform_indices = #map}, {transform_indices = #map1}, {transform_indices = #map}]} {
    %mul3A = arith.constant 2 : i32
    %mul3A_0 = arith.muli %arg1, %mul3A : i32
    %add3A = arith.addi %mul3A_0, %arg0 : i32
    %iota3A = tpu.iota {dimensions = array<i32: 0>} : vector<16xi32>
    %scan3A = arith.constant 0 : i32
    %scan3A_1 = arith.constant 0 : i32
    %scan3A_2 = arith.constant 17 : i32
    %scan3A_3 = arith.addi %scan3A_1, %scan3A_2 : i32
    %scan3A_4 = arith.constant 1 : i32
    scf.for %scan3A_6 = %scan3A_1 to %scan3A_3 step %scan3A_4  : i32 {
      %mul3A_7 = arith.constant 17 : i32
      %mul3A_8 = arith.muli %add3A, %mul3A_7 : i32
      %add3A_9 = arith.addi %mul3A_8, %scan3A_6 : i32
      %lt3A = arith.constant 524 : i32
      %lt3A_10 = arith.cmpi slt, %add3A_9, %lt3A : i32
      %convert_element_type3A = arith.extui %lt3A_10 : i1 to i32
      %cond3A = arith.constant 0 : i32
      %cond3A_11 = arith.cmpi ne, %convert_element_type3A, %cond3A : i32
      scf.if %cond3A_11 {
        %div3A = arith.constant 131 : i32
        %div3A_12 = arith.divsi %add3A_9, %div3A : i32
        %rem3A = arith.constant 131 : i32
        %rem3A_13 = arith.remsi %add3A_9, %rem3A : i32
        "tpu.region"() ({
          %run_scoped3A = tpu.sem_alloc : memref<!tpu.dma_semaphore, #tpu.memory_space<semaphore_mem>>
          %dma_start3A = arith.constant 0 : i32
          %dma_start3A_23 = tpu.memref_slice %arg5[%div3A_12, %dma_start3A] : memref<4x32768xi32, #tpu.memory_space<hbm>> -> memref<1x32768xi32, #tpu.memory_space<hbm>>
          %dma_start3A_24 = tpu.memref_squeeze %dma_start3A_23 : memref<1x32768xi32, #tpu.memory_space<hbm>> -> memref<32768xi32, #tpu.memory_space<hbm>>
          %dma_start3A_25 = arith.constant 0 : i32
          %dma_start3A_26 = tpu.memref_slice %arg5[%div3A_12, %dma_start3A_25] : memref<4x32768xi32, #tpu.memory_space<hbm>> -> memref<1x32768xi32, #tpu.memory_space<hbm>>
          %dma_start3A_27 = tpu.memref_squeeze %dma_start3A_26 : memref<1x32768xi32, #tpu.memory_space<hbm>> -> memref<32768xi32, #tpu.memory_space<hbm>>
          tpu.enqueue_dma source(%dma_start3A_27 : memref<32768xi32, #tpu.memory_space<hbm>>) target(%arg7 : memref<32768xi32, #tpu.memory_space<vmem>>) target_semaphore(%run_scoped3A : memref<!tpu.dma_semaphore, #tpu.memory_space<semaphore_mem>>)
          %dma_wait3A = arith.constant 0 : i32
          %dma_wait3A_28 = tpu.memref_slice %arg5[%div3A_12, %dma_wait3A] : memref<4x32768xi32, #tpu.memory_space<hbm>> -> memref<1x32768xi32, #tpu.memory_space<hbm>>
          %dma_wait3A_29 = tpu.memref_squeeze %dma_wait3A_28 : memref<1x32768xi32, #tpu.memory_space<hbm>> -> memref<32768xi32, #tpu.memory_space<hbm>>
          %dma_wait3A_30 = arith.constant 0 : i32
          %dma_wait3A_31 = tpu.memref_slice %arg5[%div3A_12, %dma_wait3A_30] : memref<4x32768xi32, #tpu.memory_space<hbm>> -> memref<1x32768xi32, #tpu.memory_space<hbm>>
          %dma_wait3A_32 = tpu.memref_squeeze %dma_wait3A_31 : memref<1x32768xi32, #tpu.memory_space<hbm>> -> memref<32768xi32, #tpu.memory_space<hbm>>
          tpu.wait_dma2 semaphore(%run_scoped3A : memref<!tpu.dma_semaphore, #tpu.memory_space<semaphore_mem>>) src(%dma_wait3A_32 : memref<32768xi32, #tpu.memory_space<hbm>>) dst(%arg7 : memref<32768xi32, #tpu.memory_space<vmem>>)
          tpu.yield
        }) : () -> ()
        %lt3A_14 = arith.constant 3 : i32
        %lt3A_15 = arith.cmpi slt, %rem3A_13, %lt3A_14 : i32
        %convert_element_type3A_16 = arith.extui %lt3A_15 : i1 to i32
        %cond3A_17 = arith.constant 0 : i32
        %cond3A_18 = arith.cmpi ne, %convert_element_type3A_16, %cond3A_17 : i32
        scf.if %cond3A_18 {
          "tpu.region"() ({
            %run_scoped3A = tpu.sem_alloc : memref<!tpu.dma_semaphore, #tpu.memory_space<semaphore_mem>>
            %dma_start3A = arith.constant 0 : i32
            %dma_start3A_29 = tpu.memref_slice %arg3[%div3A_12, %rem3A_13, %dma_start3A] : memref<4x3x16384xf32, #tpu.memory_space<hbm>> -> memref<1x1x16384xf32, #tpu.memory_space<hbm>>
            %dma_start3A_30 = tpu.memref_squeeze %dma_start3A_29 : memref<1x1x16384xf32, #tpu.memory_space<hbm>> -> memref<16384xf32, #tpu.memory_space<hbm>>
            %dma_start3A_31 = arith.constant 0 : i32
            %dma_start3A_32 = tpu.memref_slice %arg3[%div3A_12, %rem3A_13, %dma_start3A_31] : memref<4x3x16384xf32, #tpu.memory_space<hbm>> -> memref<1x1x16384xf32, #tpu.memory_space<hbm>>
            %dma_start3A_33 = tpu.memref_squeeze %dma_start3A_32 : memref<1x1x16384xf32, #tpu.memory_space<hbm>> -> memref<16384xf32, #tpu.memory_space<hbm>>
            tpu.enqueue_dma source(%dma_start3A_33 : memref<16384xf32, #tpu.memory_space<hbm>>) target(%arg8 : memref<16384xf32, #tpu.memory_space<vmem>>) target_semaphore(%run_scoped3A : memref<!tpu.dma_semaphore, #tpu.memory_space<semaphore_mem>>)
            %dma_wait3A = arith.constant 0 : i32
            %dma_wait3A_34 = tpu.memref_slice %arg3[%div3A_12, %rem3A_13, %dma_wait3A] : memref<4x3x16384xf32, #tpu.memory_space<hbm>> -> memref<1x1x16384xf32, #tpu.memory_space<hbm>>
            %dma_wait3A_35 = tpu.memref_squeeze %dma_wait3A_34 : memref<1x1x16384xf32, #tpu.memory_space<hbm>> -> memref<16384xf32, #tpu.memory_space<hbm>>
            %dma_wait3A_36 = arith.constant 0 : i32
            %dma_wait3A_37 = tpu.memref_slice %arg3[%div3A_12, %rem3A_13, %dma_wait3A_36] : memref<4x3x16384xf32, #tpu.memory_space<hbm>> -> memref<1x1x16384xf32, #tpu.memory_space<hbm>>
            %dma_wait3A_38 = tpu.memref_squeeze %dma_wait3A_37 : memref<1x1x16384xf32, #tpu.memory_space<hbm>> -> memref<16384xf32, #tpu.memory_space<hbm>>
            tpu.wait_dma2 semaphore(%run_scoped3A : memref<!tpu.dma_semaphore, #tpu.memory_space<semaphore_mem>>) src(%dma_wait3A_38 : memref<16384xf32, #tpu.memory_space<hbm>>) dst(%arg8 : memref<16384xf32, #tpu.memory_space<vmem>>)
            tpu.yield
          }) : () -> ()
          "tpu.region"() ({
            %run_scoped3A = tpu.sem_alloc : memref<!tpu.dma_semaphore, #tpu.memory_space<semaphore_mem>>
            %dma_start3A = arith.constant 0 : i32
            %dma_start3A_29 = tpu.memref_slice %arg4[%div3A_12, %rem3A_13, %dma_start3A] : memref<4x3x1024xf32, #tpu.memory_space<hbm>> -> memref<1x1x1024xf32, #tpu.memory_space<hbm>>
            %dma_start3A_30 = tpu.memref_squeeze %dma_start3A_29 : memref<1x1x1024xf32, #tpu.memory_space<hbm>> -> memref<1024xf32, #tpu.memory_space<hbm>>
            %dma_start3A_31 = arith.constant 0 : i32
            %dma_start3A_32 = tpu.memref_slice %arg4[%div3A_12, %rem3A_13, %dma_start3A_31] : memref<4x3x1024xf32, #tpu.memory_space<hbm>> -> memref<1x1x1024xf32, #tpu.memory_space<hbm>>
            %dma_start3A_33 = tpu.memref_squeeze %dma_start3A_32 : memref<1x1x1024xf32, #tpu.memory_space<hbm>> -> memref<1024xf32, #tpu.memory_space<hbm>>
            tpu.enqueue_dma source(%dma_start3A_33 : memref<1024xf32, #tpu.memory_space<hbm>>) target(%arg9 : memref<1024xf32, #tpu.memory_space<vmem>>) target_semaphore(%run_scoped3A : memref<!tpu.dma_semaphore, #tpu.memory_space<semaphore_mem>>)
            %dma_wait3A = arith.constant 0 : i32
            %dma_wait3A_34 = tpu.memref_slice %arg4[%div3A_12, %rem3A_13, %dma_wait3A] : memref<4x3x1024xf32, #tpu.memory_space<hbm>> -> memref<1x1x1024xf32, #tpu.memory_space<hbm>>
            %dma_wait3A_35 = tpu.memref_squeeze %dma_wait3A_34 : memref<1x1x1024xf32, #tpu.memory_space<hbm>> -> memref<1024xf32, #tpu.memory_space<hbm>>
            %dma_wait3A_36 = arith.constant 0 : i32
            %dma_wait3A_37 = tpu.memref_slice %arg4[%div3A_12, %rem3A_13, %dma_wait3A_36] : memref<4x3x1024xf32, #tpu.memory_space<hbm>> -> memref<1x1x1024xf32, #tpu.memory_space<hbm>>
            %dma_wait3A_38 = tpu.memref_squeeze %dma_wait3A_37 : memref<1x1x1024xf32, #tpu.memory_space<hbm>> -> memref<1024xf32, #tpu.memory_space<hbm>>
            tpu.wait_dma2 semaphore(%run_scoped3A : memref<!tpu.dma_semaphore, #tpu.memory_space<semaphore_mem>>) src(%dma_wait3A_38 : memref<1024xf32, #tpu.memory_space<hbm>>) dst(%arg9 : memref<1024xf32, #tpu.memory_space<vmem>>)
            tpu.yield
          }) : () -> ()
          %scan3A_23 = arith.constant 0 : i32
          %scan3A_24 = arith.constant 0 : i32
          %scan3A_25 = arith.constant 2048 : i32
          %scan3A_26 = arith.addi %scan3A_24, %scan3A_25 : i32
          %scan3A_27 = arith.constant 1 : i32
          scf.for %scan3A_29 = %scan3A_24 to %scan3A_26 step %scan3A_27  : i32 {
            %mul3A_30 = arith.constant 16 : i32
            %mul3A_31 = arith.muli %scan3A_29, %mul3A_30 : i32
            %get3A = arith.index_cast %mul3A_31 : i32 to index
            %get3A_32 = tpu.vector_load %arg7[%get3A] {strides = array<i32>} : memref<32768xi32, #tpu.memory_space<vmem>>, vector<16xi32>,
            %gather3A = tpu.vector_load_idx %arg8[%get3A_32] : memref<16384xf32, #tpu.memory_space<vmem>>[vector<16xi32>], vector<16xf32>,
            %mul3A_33 = arith.constant 16 : i32
            %mul3A_34 = arith.muli %scan3A_29, %mul3A_33 : i32
            %add3A_35 = vector.broadcast %mul3A_34 : i32 to vector<16xi32>
            %add3A_36 = arith.addi %add3A_35, %iota3A : vector<16xi32>
            %shift_right_logical3A = arith.constant 5 : i32
            %shift_right_logical3A_37 = vector.broadcast %shift_right_logical3A : i32 to vector<16xi32>
            %shift_right_logical3A_38 = arith.shrui %add3A_36, %shift_right_logical3A_37 : vector<16xi32>
            %gather3A_39 = tpu.vector_load_idx %arg9[%shift_right_logical3A_38] : memref<1024xf32, #tpu.memory_space<vmem>>[vector<16xi32>], vector<16xf32>,
            %sub3A = arith.subf %gather3A, %gather3A_39 : vector<16xf32>
            %mul3A_40 = arith.constant 16 : i32
            %mul3A_41 = arith.muli %scan3A_29, %mul3A_40 : i32
            %swap3A = arith.index_cast %mul3A_41 : i32 to index
            %swap3A_42 = tpu.vector_load %arg10[%swap3A] {strides = array<i32>} : memref<32768xf32, #tpu.memory_space<vmem>>, vector<16xf32>,
            tpu.vector_store %arg10[%swap3A], %sub3A {strides = array<i32>} : memref<32768xf32, #tpu.memory_space<vmem>>, vector<16xf32>,
          }
          %scan3A_28 = arith.constant 2048 : i32
        } else {
        }
        %ge3A = arith.constant 3 : i32
        %ge3A_19 = arith.cmpi sge, %rem3A_13, %ge3A : i32
        %convert_element_type3A_20 = arith.extui %ge3A_19 : i1 to i32
        %cond3A_21 = arith.constant 0 : i32
        %cond3A_22 = arith.cmpi ne, %convert_element_type3A_20, %cond3A_21 : i32
        scf.if %cond3A_22 {
          %sub3A = arith.constant 3 : i32
          %sub3A_23 = arith.subi %rem3A_13, %sub3A : i32
          "tpu.region"() ({
            %run_scoped3A = tpu.sem_alloc : memref<!tpu.dma_semaphore, #tpu.memory_space<semaphore_mem>>
            %dma_start3A = arith.constant 0 : i32
            %dma_start3A_30 = tpu.memref_slice %arg2[%div3A_12, %sub3A_23, %dma_start3A] : memref<4x128x16384xf32, #tpu.memory_space<hbm>> -> memref<1x1x16384xf32, #tpu.memory_space<hbm>>
            %dma_start3A_31 = tpu.memref_squeeze %dma_start3A_30 : memref<1x1x16384xf32, #tpu.memory_space<hbm>> -> memref<16384xf32, #tpu.memory_space<hbm>>
            %dma_start3A_32 = arith.constant 0 : i32
            %dma_start3A_33 = tpu.memref_slice %arg2[%div3A_12, %sub3A_23, %dma_start3A_32] : memref<4x128x16384xf32, #tpu.memory_space<hbm>> -> memref<1x1x16384xf32, #tpu.memory_space<hbm>>
            %dma_start3A_34 = tpu.memref_squeeze %dma_start3A_33 : memref<1x1x16384xf32, #tpu.memory_space<hbm>> -> memref<16384xf32, #tpu.memory_space<hbm>>
            tpu.enqueue_dma source(%dma_start3A_34 : memref<16384xf32, #tpu.memory_space<hbm>>) target(%arg8 : memref<16384xf32, #tpu.memory_space<vmem>>) target_semaphore(%run_scoped3A : memref<!tpu.dma_semaphore, #tpu.memory_space<semaphore_mem>>)
            %dma_wait3A = arith.constant 0 : i32
            %dma_wait3A_35 = tpu.memref_slice %arg2[%div3A_12, %sub3A_23, %dma_wait3A] : memref<4x128x16384xf32, #tpu.memory_space<hbm>> -> memref<1x1x16384xf32, #tpu.memory_space<hbm>>
            %dma_wait3A_36 = tpu.memref_squeeze %dma_wait3A_35 : memref<1x1x16384xf32, #tpu.memory_space<hbm>> -> memref<16384xf32, #tpu.memory_space<hbm>>
            %dma_wait3A_37 = arith.constant 0 : i32
            %dma_wait3A_38 = tpu.memref_slice %arg2[%div3A_12, %sub3A_23, %dma_wait3A_37] : memref<4x128x16384xf32, #tpu.memory_space<hbm>> -> memref<1x1x16384xf32, #tpu.memory_space<hbm>>
            %dma_wait3A_39 = tpu.memref_squeeze %dma_wait3A_38 : memref<1x1x16384xf32, #tpu.memory_space<hbm>> -> memref<16384xf32, #tpu.memory_space<hbm>>
            tpu.wait_dma2 semaphore(%run_scoped3A : memref<!tpu.dma_semaphore, #tpu.memory_space<semaphore_mem>>) src(%dma_wait3A_39 : memref<16384xf32, #tpu.memory_space<hbm>>) dst(%arg8 : memref<16384xf32, #tpu.memory_space<vmem>>)
            tpu.yield
          }) : () -> ()
          %scan3A_24 = arith.constant 0 : i32
          %scan3A_25 = arith.constant 0 : i32
          %scan3A_26 = arith.constant 2048 : i32
          %scan3A_27 = arith.addi %scan3A_25, %scan3A_26 : i32
          %scan3A_28 = arith.constant 1 : i32
          scf.for %scan3A_30 = %scan3A_25 to %scan3A_27 step %scan3A_28  : i32 {
            %mul3A_31 = arith.constant 16 : i32
            %mul3A_32 = arith.muli %scan3A_30, %mul3A_31 : i32
            %get3A = arith.index_cast %mul3A_32 : i32 to index
            %get3A_33 = tpu.vector_load %arg7[%get3A] {strides = array<i32>} : memref<32768xi32, #tpu.memory_space<vmem>>, vector<16xi32>,
            %gather3A = tpu.vector_load_idx %arg8[%get3A_33] : memref<16384xf32, #tpu.memory_space<vmem>>[vector<16xi32>], vector<16xf32>,
            %mul3A_34 = arith.constant 16 : i32
            %mul3A_35 = arith.muli %scan3A_30, %mul3A_34 : i32
            %swap3A = arith.index_cast %mul3A_35 : i32 to index
            %swap3A_36 = tpu.vector_load %arg10[%swap3A] {strides = array<i32>} : memref<32768xf32, #tpu.memory_space<vmem>>, vector<16xf32>,
            tpu.vector_store %arg10[%swap3A], %gather3A {strides = array<i32>} : memref<32768xf32, #tpu.memory_space<vmem>>, vector<16xf32>,
          }
          %scan3A_29 = arith.constant 2048 : i32
        } else {
        }
        "tpu.region"() ({
          %run_scoped3A = tpu.sem_alloc : memref<!tpu.dma_semaphore, #tpu.memory_space<semaphore_mem>>
          %dma_start3A = arith.constant 0 : i32
          %dma_start3A_23 = tpu.memref_slice %arg6[%div3A_12, %rem3A_13, %dma_start3A] : memref<4x131x32768xf32, #tpu.memory_space<hbm>> -> memref<1x1x32768xf32, #tpu.memory_space<hbm>>
          %dma_start3A_24 = tpu.memref_squeeze %dma_start3A_23 : memref<1x1x32768xf32, #tpu.memory_space<hbm>> -> memref<32768xf32, #tpu.memory_space<hbm>>
          %dma_start3A_25 = arith.constant 0 : i32
          %dma_start3A_26 = tpu.memref_slice %arg6[%div3A_12, %rem3A_13, %dma_start3A_25] : memref<4x131x32768xf32, #tpu.memory_space<hbm>> -> memref<1x1x32768xf32, #tpu.memory_space<hbm>>
          %dma_start3A_27 = tpu.memref_squeeze %dma_start3A_26 : memref<1x1x32768xf32, #tpu.memory_space<hbm>> -> memref<32768xf32, #tpu.memory_space<hbm>>
          tpu.enqueue_dma source(%arg10 : memref<32768xf32, #tpu.memory_space<vmem>>) target(%dma_start3A_27 : memref<32768xf32, #tpu.memory_space<hbm>>) target_semaphore(%run_scoped3A : memref<!tpu.dma_semaphore, #tpu.memory_space<semaphore_mem>>)
          %dma_wait3A = arith.constant 0 : i32
          %dma_wait3A_28 = tpu.memref_slice %arg6[%div3A_12, %rem3A_13, %dma_wait3A] : memref<4x131x32768xf32, #tpu.memory_space<hbm>> -> memref<1x1x32768xf32, #tpu.memory_space<hbm>>
          %dma_wait3A_29 = tpu.memref_squeeze %dma_wait3A_28 : memref<1x1x32768xf32, #tpu.memory_space<hbm>> -> memref<32768xf32, #tpu.memory_space<hbm>>
          %dma_wait3A_30 = arith.constant 0 : i32
          %dma_wait3A_31 = tpu.memref_slice %arg6[%div3A_12, %rem3A_13, %dma_wait3A_30] : memref<4x131x32768xf32, #tpu.memory_space<hbm>> -> memref<1x1x32768xf32, #tpu.memory_space<hbm>>
          %dma_wait3A_32 = tpu.memref_squeeze %dma_wait3A_31 : memref<1x1x32768xf32, #tpu.memory_space<hbm>> -> memref<32768xf32, #tpu.memory_space<hbm>>
          tpu.wait_dma2 semaphore(%run_scoped3A : memref<!tpu.dma_semaphore, #tpu.memory_space<semaphore_mem>>) src(%arg10 : memref<32768xf32, #tpu.memory_space<vmem>>) dst(%dma_wait3A_32 : memref<32768xf32, #tpu.memory_space<hbm>>)
          tpu.yield
        }) : () -> ()
      } else {
      }
    }
    %scan3A_5 = arith.constant 17 : i32
    return
  }
}

module attributes {stable_mosaic.version = 14 : i64} {
  func.func @_topk_body(%arg0: i32, %arg1: i32, %arg2: memref<1x64x3xf32, #tpu.memory_space<vmem>>, %arg3: memref<1x3x16384xf32, #tpu.memory_space<vmem>>, %arg4: memref<1x64x32xi32, #tpu.memory_space<vmem>>, %arg5: memref<64x16384xf32, #tpu.memory_space<vmem>>) attributes {dimension_semantics = [#tpu.dimension_semantics<arbitrary>, #tpu.dimension_semantics<arbitrary>], iteration_bounds = array<i64: 4, 16>, scalar_prefetch = 0 : i64, scratch_operands = 1 : i64, tpu.core_type = #tpu.core_type<tc>, window_params = [{transform_indices = @transform_0, window_bounds = array<i64: 1, 64, 3>}, {transform_indices = @transform_1, window_bounds = array<i64: 1, 3, 16384>}, {transform_indices = @transform_2, window_bounds = array<i64: 1, 64, 32>}]} {
    %get3A = arith.constant 0 : index
    %get3A_0 = arith.constant 0 : index
    %get3A_1 = arith.constant 0 : index
    %get3A_2 = vector.load %arg2[%get3A, %get3A_0, %get3A_1] : memref<1x64x3xf32, #tpu.memory_space<vmem>>, vector<1x64x3xf32>
    %get3A_3 = vector.shape_cast %get3A_2 : vector<1x64x3xf32> to vector<64x3xf32>
    %get3A_4 = arith.constant 0 : index
    %get3A_5 = arith.constant 0 : index
    %get3A_6 = arith.constant 0 : index
    %get3A_7 = vector.load %arg3[%get3A_4, %get3A_5, %get3A_6] : memref<1x3x16384xf32, #tpu.memory_space<vmem>>, vector<1x3x16384xf32>
    %get3A_8 = vector.shape_cast %get3A_7 : vector<1x3x16384xf32> to vector<3x16384xf32>
    %dot_general3A = arith.constant dense<0.000000e+00> : vector<64x16384xf32>
    %dot_general3A_9 = tpu.matmul %get3A_3, %get3A_8, %dot_general3A {dimension_numbers = #tpu.dot_dimension_numbers<[1], [0], [0], [1], [0, 0, 1, 1], [], []>, transpose_lhs_hint = false} : vector<64x3xf32>, vector<3x16384xf32>, vector<64x16384xf32> -> vector<64x16384xf32>
    %slice3A = vector.extract_strided_slice %get3A_3 {offsets = [0, 0], sizes = [64, 1], strides = [1, 1]} : vector<64x3xf32> to vector<64x1xf32>
    %slice3A_10 = vector.extract_strided_slice %get3A_3 {offsets = [0, 1], sizes = [64, 1], strides = [1, 1]} : vector<64x3xf32> to vector<64x1xf32>
    %slice3A_11 = vector.extract_strided_slice %get3A_3 {offsets = [0, 2], sizes = [64, 1], strides = [1, 1]} : vector<64x3xf32> to vector<64x1xf32>
    %slice3A_12 = vector.extract_strided_slice %get3A_8 {offsets = [0, 0], sizes = [1, 16384], strides = [1, 1]} : vector<3x16384xf32> to vector<1x16384xf32>
    %slice3A_13 = vector.extract_strided_slice %get3A_8 {offsets = [1, 0], sizes = [1, 16384], strides = [1, 1]} : vector<3x16384xf32> to vector<1x16384xf32>
    %slice3A_14 = vector.extract_strided_slice %get3A_8 {offsets = [2, 0], sizes = [1, 16384], strides = [1, 1]} : vector<3x16384xf32> to vector<1x16384xf32>
    %mul3A = arith.mulf %slice3A, %slice3A : vector<64x1xf32>
    %mul3A_15 = arith.mulf %slice3A_10, %slice3A_10 : vector<64x1xf32>
    %add3A = arith.addf %mul3A, %mul3A_15 : vector<64x1xf32>
    %mul3A_16 = arith.mulf %slice3A_11, %slice3A_11 : vector<64x1xf32>
    %add3A_17 = arith.addf %add3A, %mul3A_16 : vector<64x1xf32>
    %mul3A_18 = arith.mulf %slice3A_12, %slice3A_12 : vector<1x16384xf32>
    %mul3A_19 = arith.mulf %slice3A_13, %slice3A_13 : vector<1x16384xf32>
    %add3A_20 = arith.addf %mul3A_18, %mul3A_19 : vector<1x16384xf32>
    %mul3A_21 = arith.mulf %slice3A_14, %slice3A_14 : vector<1x16384xf32>
    %add3A_22 = arith.addf %add3A_20, %mul3A_21 : vector<1x16384xf32>
    %add3A_23 = vector.broadcast %add3A_17 : vector<64x1xf32> to vector<64x16384xf32>
    %add3A_24 = vector.broadcast %add3A_22 : vector<1x16384xf32> to vector<64x16384xf32>
    %add3A_25 = arith.addf %add3A_23, %add3A_24 : vector<64x16384xf32>
    %mul3A_26 = arith.constant 2.000000e+00 : f32
    %mul3A_27 = vector.broadcast %mul3A_26 : f32 to vector<64x16384xf32>
    %mul3A_28 = arith.mulf %mul3A_27, %dot_general3A_9 : vector<64x16384xf32>
    %sub3A = arith.subf %add3A_25, %mul3A_28 : vector<64x16384xf32>
    %swap3A = arith.constant 0 : index
    %swap3A_29 = arith.constant 0 : index
    %swap3A_30 = vector.load %arg5[%swap3A, %swap3A_29] : memref<64x16384xf32, #tpu.memory_space<vmem>>, vector<64x16384xf32>
    tpu.vector_store %arg5[%swap3A, %swap3A_29], %sub3A {strides = array<i32>} : memref<64x16384xf32, #tpu.memory_space<vmem>>, vector<64x16384xf32>,
    %iota3A = tpu.iota {dimensions = array<i32: 1>} : vector<64x16384xi32>
    %iota3A_31 = tpu.iota {dimensions = array<i32: 1>} : vector<64x32xi32>
    %scan3A = arith.constant 0 : i32
    %scan3A_32 = arith.constant 32 : i32
    %scan3A_33 = arith.addi %scan3A, %scan3A_32 : i32
    %scan3A_34 = arith.constant 1 : i32
    scf.for %scan3A_36 = %scan3A to %scan3A_33 step %scan3A_34  : i32 {
      %get3A_37 = arith.constant 0 : index
      %get3A_38 = arith.constant 0 : index
      %get3A_39 = vector.load %arg5[%get3A_37, %get3A_38] : memref<64x16384xf32, #tpu.memory_space<vmem>>, vector<64x16384xf32>
      %reduce_min3A = arith.constant dense<0x7F800000> : vector<64xf32>
      %reduce_min3A_40 = vector.multi_reduction <minimumf>, %get3A_39, %reduce_min3A [1] : vector<64x16384xf32> to vector<64xf32>
      %broadcast_in_dim3A = vector.shape_cast %reduce_min3A_40 : vector<64xf32> to vector<64x1xf32>
      %eq3A = vector.broadcast %broadcast_in_dim3A : vector<64x1xf32> to vector<64x16384xf32>
      %eq3A_41 = arith.cmpf oeq, %get3A_39, %eq3A : vector<64x16384xf32>
      %jit3A = arith.constant 16384 : i32
      %broadcast_in_dim3A_42 = vector.broadcast %jit3A : i32 to vector<64x16384xi32>
      %select_n3A = arith.select %eq3A_41, %iota3A, %broadcast_in_dim3A_42 : vector<64x16384xi1>, vector<64x16384xi32>
      %reduce_min3A_43 = arith.constant dense<2147483647> : vector<64xi32>
      %reduce_min3A_44 = vector.multi_reduction <minsi>, %select_n3A, %reduce_min3A_43 [1] : vector<64x16384xi32> to vector<64xi32>
      %eq3A_45 = vector.broadcast %scan3A_36 : i32 to vector<64x32xi32>
      %eq3A_46 = arith.cmpi eq, %iota3A_31, %eq3A_45 : vector<64x32xi32>
      %broadcast_in_dim3A_47 = vector.shape_cast %reduce_min3A_44 : vector<64xi32> to vector<64x1xi32>
      %get3A_48 = arith.constant 0 : index
      %get3A_49 = arith.constant 0 : index
      %get3A_50 = arith.constant 0 : index
      %get3A_51 = vector.load %arg4[%get3A_48, %get3A_49, %get3A_50] : memref<1x64x32xi32, #tpu.memory_space<vmem>>, vector<1x64x32xi32>
      %get3A_52 = vector.shape_cast %get3A_51 : vector<1x64x32xi32> to vector<64x32xi32>
      %broadcast_in_dim3A_53 = vector.shape_cast %broadcast_in_dim3A_47 : vector<64x1xi32> to vector<64x1xi32>
      %broadcast_in_dim3A_54 = vector.broadcast %broadcast_in_dim3A_53 : vector<64x1xi32> to vector<64x32xi32>
      %select_n3A_55 = arith.select %eq3A_46, %broadcast_in_dim3A_54, %get3A_52 : vector<64x32xi1>, vector<64x32xi32>
      %swap3A_56 = arith.constant 0 : index
      %swap3A_57 = arith.constant 0 : index
      %swap3A_58 = arith.constant 0 : index
      %swap3A_59 = vector.load %arg4[%swap3A_56, %swap3A_57, %swap3A_58] : memref<1x64x32xi32, #tpu.memory_space<vmem>>, vector<1x64x32xi32>
      %swap3A_60 = vector.shape_cast %swap3A_59 : vector<1x64x32xi32> to vector<64x32xi32>
      %swap3A_61 = vector.shape_cast %select_n3A_55 : vector<64x32xi32> to vector<1x64x32xi32>
      tpu.vector_store %arg4[%swap3A_56, %swap3A_57, %swap3A_58], %swap3A_61 {strides = array<i32>} : memref<1x64x32xi32, #tpu.memory_space<vmem>>, vector<1x64x32xi32>,
      %broadcast_in_dim3A_62 = vector.shape_cast %reduce_min3A_44 : vector<64xi32> to vector<64x1xi32>
      %eq3A_63 = vector.broadcast %broadcast_in_dim3A_62 : vector<64x1xi32> to vector<64x16384xi32>
      %eq3A_64 = arith.cmpi eq, %iota3A, %eq3A_63 : vector<64x16384xi32>
      %jit3A_65 = arith.constant 0x7F800000 : f32
      %broadcast_in_dim3A_66 = vector.broadcast %jit3A_65 : f32 to vector<64x16384xf32>
      %select_n3A_67 = arith.select %eq3A_64, %broadcast_in_dim3A_66, %get3A_39 : vector<64x16384xi1>, vector<64x16384xf32>
      %swap3A_68 = arith.constant 0 : index
      %swap3A_69 = arith.constant 0 : index
      %swap3A_70 = vector.load %arg5[%swap3A_68, %swap3A_69] : memref<64x16384xf32, #tpu.memory_space<vmem>>, vector<64x16384xf32>
      tpu.vector_store %arg5[%swap3A_68, %swap3A_69], %select_n3A_67 {strides = array<i32>} : memref<64x16384xf32, #tpu.memory_space<vmem>>, vector<64x16384xf32>,
    }
    %scan3A_35 = arith.constant 32 : i32
    return
  }
  func.func @transform_0(%arg0: i32, %arg1: i32) -> (i32, i32, i32) {
    %c0_i32 = arith.constant 0 : i32
    %c0_i32_0 = arith.constant 0 : i32
    return %arg0, %arg1, %c0_i32 : i32, i32, i32
  }
  func.func @transform_1(%arg0: i32, %arg1: i32) -> (i32, i32, i32) {
    %c0_i32 = arith.constant 0 : i32
    %c0_i32_0 = arith.constant 0 : i32
    %c0_i32_1 = arith.constant 0 : i32
    return %arg0, %c0_i32, %c0_i32_0 : i32, i32, i32
  }
  func.func @transform_2(%arg0: i32, %arg1: i32) -> (i32, i32, i32) {
    %c0_i32 = arith.constant 0 : i32
    %c0_i32_0 = arith.constant 0 : i32
    return %arg0, %arg1, %c0_i32 : i32, i32, i32
  }
}

</mosaic_0001>

<sc_bundles>
// kernel: kernel.4.cloned.1.call-start
scs
__scs_entry_jumppad:
0x0: {  	(pc) =	sbr.rel $0x88, $3  }
0x1: {  	(tag) =	ssettag $0x0;
	lr =	simm.s32 $0x1  }
0x2: {  	[smem:$0x3F9E] =	sst lr;
	_ =	strace $0xD0000000  }
0x3: {  	_ = 	snop  }
0x4: {  	_ = 	snop  }
0x5: {  	_ = 	snop  }
0x6: {  	_ = 	snop  }
0x7: {  	_ = 	snop  }
__scs_overlays_trampoline_lowered:
0x8: {  	[smem:$0x3FAD] =	sst s0  }
0x9: {  	[smem:$0x3FAE] =	sst s1  }
0xa: {  	[smem:$0x3FAF] =	sst s2  }
0xb: {  	[smem:$0x3FB0] =	sst s3  }
0xc: {  	[smem:$0x3FB1] =	sst s4  }
0xd: {  	[smem:$0x3FB2] =	sst s5  }
0xe: {  	[smem:$0x3FB3] =	sst s6  }
0xf: {  	[smem:$0x3FB4] =	sst s7  }
0x10: {  	[smem:$0x3FB5] =	sst s8  }
0x11: {  	[smem:$0x3FB6] =	sst s9;
	s0 =	simm.s32 @!p0 $0x0  }
0x12: {  	s1 =	sld [smem:$0x3F9C];
	s0 =	simm.s32 @p0 $0x1  }
0x13: {  	[smem:$0x3FB7] =	sst s0;
	s0 =	simm.s32 @!p1 $0x0  }
0x14: {  	s2 =	sld [smem:$0x3F9B];
	s0 =	simm.s32 @p1 $0x1  }
0x15: {  	[smem:$0x3FB8] =	sst s0;
	s0 =	simm.s32 @!p2 $0x0  }
0x16: {  	s3 =	sld [smem:$0x3FDB];
	s0 =	simm.s32 @p2 $0x1  }
0x17: {  	s4 =	simm.s32 $0x1BF5;
	[smem:$0x3FBA] =	sst s0  }
0x18: {  	s0 =	sld [smem:$0x3F9D];
	_ =	swait.ge [sflag:s4], $0x0  }
0x19: {  	s7 =	sld [smem:$0x3F9E]  }
0x1a: {  	s8 =	sadd.s32 $0xFFFFE003, lr  }
0x1b: {  	s9 =	sadd.s32 $0xFFFFFEF7, lr;
	s5 =	simm.s32 $0xFFFFFFFF;
	p2 =	slt.u32 s8, $0xFFFFF086  }
0x1c: {  	p1 =	slt.u32 s9, $0xF7A;
	s5 =	simm.s32 @!p2 $0x0  }
0x1d: {  	s5 =	simm.s32 @p1 $0x1;
	p0 =	seq.s32 s7, s2  }
0x1e: {  	s7 =	smul.u32 @!p0 $0xF7A, s2;
	p2 =	seq.s32 @!p0 s5, $0x0  }
0x1f: {  	s9 =	smul.u32 $0xF7A, s1;
	s8 =	simm.s32 @!p0 $0x1BF5;
	p2 =	por !p2, p0  }
0x20: {  	[sflag:s8] =	ssyncset.s32 @!p0 $0xFFFFF086;
	s6 =	sadd.s32 @!p0 s3, s7;
	s7 =	simm.s32 @!p0 $0x108  }
0x21: {  	s3 =	sadd.s32 s3, s9;
	s6 =	sadd.s32 @!p0 $0x88, s6;
	s7 =	simm.s32 @p2 $0x1082  }
0x22: {  	[simem:s7], [sflag:s8] =	dma.local @!p0 [hbm:s6], $0xF7A  }
0x23: {  	s9 =	sor.u32 $0xD0000000, s2;
	s6 =	simm.s32 $0x108;
	_ =	swait.ge @!p0 [sflag:s8], $0x0  }
0x24: {  	s3 =	sadd.s32 $0x88, s3;
	s6 =	simm.s32 @!p1 $0x1082;
	[sflag:s4] =	ssyncset.s32 $0xFFFFF086  }
0x25: {  	[simem:s6], [sflag:s4] =	dma.local [hbm:s3], $0xF7A  }
0x26: {  	[smem:$0x3F9E] =	sst s1;
	(tag) =	ssettag s2;
	_ =	strace s9  }
0x27: {  	s1 =	sld [smem:$0x3FAE]  }
0x28: {  	s2 =	sld [smem:$0x3FAF]  }
0x29: {  	s4 =	sld [smem:$0x3FB1]  }
0x2a: {  	p0 =	seq.s32 s5, $0x0;
	s5 =	sld [smem:$0x3FB2]  }
0x2b: {  	s6 =	sld [smem:$0x3FB3]  }
0x2c: {  	s7 =	sld [smem:$0x3FB4]  }
0x2d: {  	s3 =	simm.s32 $0x108;
	s8 =	sld [smem:$0x3FB5]  }
0x2e: {  	s3 =	simm.s32 @!p0 $0x1082;
	s9 =	sld [smem:$0x3FB6]  }
0x2f: {  	lr =	sadd.s32 s0, s3;
	s0 =	sld [smem:$0x3FAD]  }
0x30: {  	s3 =	sld [smem:$0x3FB0]  }
0x31: {  	[smem:$0x3FB9] =	sst s10  }
0x32: {  	s10 =	sld [smem:$0x3FB7];
	_ =	sdelay $0x3  }
0x33: {  	p0 =	seq.s32 s10, $0x1;
	s10 =	sld [smem:$0x3FB9];
	_ =	sdelay $0x3  }
0x34: {  	[smem:$0x3FB9] =	sst s10  }
0x35: {  	s10 =	sld [smem:$0x3FB8];
	_ =	sdelay $0x3  }
0x36: {  	p1 =	seq.s32 s10, $0x1;
	s10 =	sld [smem:$0x3FB9];
	_ =	sdelay $0x3  }
0x37: {  	[smem:$0x3FB9] =	sst s10  }
0x38: {  	s10 =	sld [smem:$0x3FBA]  }
0x39: {  	_ = 	snop;
	(pc) =	sbr.ind lr, $3  }
0x3a: {  	_ = 	snop  }
0x3b: {  	_ = 	snop  }
0x3c: {  	p2 =	seq.s32 s10, $0x1;
	s10 =	sld [smem:$0x3FB9]  }
0x3d: {  	_ =	shalt  }
0x3e: {  	_ =	shalt  }
0x3f: {  	_ =	shalt  }
0x40: {  	_ =	shalt  }
0x41: {  	_ =	shalt  }
0x42: {  	_ =	shalt  }
0x43: {  	_ =	shalt  }
0x44: {  	_ =	shalt  }
0x45: {  	_ =	shalt  }
0x46: {  	_ =	shalt  }
0x47: {  	_ =	shalt  }
0x48: {  	_ =	shalt  }
0x49: {  	_ =	shalt  }
0x4a: {  	_ =	shalt  }
0x4b: {  	_ =	shalt  }
0x4c: {  	_ =	shalt  }
0x4d: {  	_ =	shalt  }
0x4e: {  	_ =	shalt  }
0x4f: {  	_ =	shalt  }
0x50: {  	_ =	shalt  }
0x51: {  	_ =	shalt  }
0x52: {  	_ =	shalt  }
0x53: {  	_ =	shalt  }
0x54: {  	_ =	shalt  }
0x55: {  	_ =	shalt  }
0x56: {  	_ =	shalt  }
0x57: {  	_ =	shalt  }
0x58: {  	_ =	shalt  }
0x59: {  	_ =	shalt  }
0x5a: {  	_ =	shalt  }
0x5b: {  	_ =	shalt  }
0x5c: {  	_ =	shalt  }
0x5d: {  	_ =	shalt  }
0x5e: {  	_ =	shalt  }
0x5f: {  	_ =	shalt  }
0x60: {  	_ =	shalt  }
0x61: {  	_ =	shalt  }
0x62: {  	_ =	shalt  }
0x63: {  	_ =	shalt  }
0x64: {  	_ =	shalt  }
0x65: {  	_ =	shalt  }
0x66: {  	_ =	shalt  }
0x67: {  	_ =	shalt  }
0x68: {  	_ =	shalt  }
0x69: {  	_ =	shalt  }
0x6a: {  	_ =	shalt  }
0x6b: {  	_ =	shalt  }
0x6c: {  	_ =	shalt  }
0x6d: {  	_ =	shalt  }
0x6e: {  	_ =	shalt  }
0x6f: {  	_ =	shalt  }
0x70: {  	_ =	shalt  }
0x71: {  	_ =	shalt  }
0x72: {  	_ =	shalt  }
0x73: {  	_ =	shalt  }
0x74: {  	_ =	shalt  }
0x75: {  	_ =	shalt  }
0x76: {  	_ =	shalt  }
0x77: {  	_ =	shalt  }
0x78: {  	_ =	shalt  }
0x79: {  	_ =	shalt  }
0x7a: {  	_ =	shalt  }
0x7b: {  	_ =	shalt  }
0x7c: {  	_ =	shalt  }
0x7d: {  	_ =	shalt  }
0x7e: {  	_ =	shalt  }
0x7f: {  	_ =	shalt  }
0x80: {  	_ =	shalt  }
0x81: {  	_ =	shalt  }
0x82: {  	_ =	shalt  }
0x83: {  	_ =	shalt  }
0x84: {  	_ =	shalt  }
0x85: {  	_ =	shalt  }
0x86: {  	_ =	shalt  }
0x87: {  	_ =	shalt  }
.Lfunc_end0:
.L_simem_size_0:
called_computation.1_lowered:
.L_overlay_start_0:
0x88: {  	s2 =	sld [smem:$0x3FD9]  }
0x89: {  	s3 =	sld [smem:$0x3FFE];
	_ =	sdelay $0x1  }
0x8a: {  	s1 =	srdreg.scid  }
0x8b: {  	s0 =	sand.u32 $0x1, s1  }
0x8c: {  	s17 =	sshll.u32 s0, $0xA;
	s2 =	sadd.s32 s3, s2  }
0x8d: {  	s2 =	sadd.s32 s2, s17  }
0x8e: {  	[smem:$0x3FC5] =	sst s2  }
0x8f: {  	_ = 	snop  }
0x90: {  	s2 =	sld [smem:$0x3FC7]  }
0x91: {  	s18 =	sld [smem:$0x3FD0];
	(tm) =	ssettm $0x1  }
0x92: {  	s4 =	sld [smem:$0x3FFB];
	_ =	sdelay $0x3  }
0x93: {  	_ =	strace s4  }
0x94: {  	s4 =	sld [smem:$0x3FFC];
	_ =	sdelay $0x3  }
0x95: {  	_ =	strace s4  }
0x96: {  	s4 =	sld [smem:$0x3FFD];
	_ =	sdelay $0x3  }
0x97: {  	_ =	strace s4  }
0x98: {  	_ =	strace $0x8FFFFFFF  }
0x99: {  	s19 =	sld [smem:$0x3FDB];
	_ =	sdelay $0x1  }
0x9a: {  	s5 =	simm.s32 $_scs_section_size  }
0x9b: {  	s6 =	simm.s32 $_size__tile_overlayer_lowered;
	s7 =	simm.s32 $_tile_overlayer_lowered  }
0x9c: {  	s22 =	simm.s32 $0x1BFF;
	s21 =	sshll.u32 s7, $0x1;
	s4 =	sadd.s32 s5, s19  }
0x9d: {  	s8 =	simm.s32 $0x0;
	s20 =	sshll.u32 s6, $0x1;
	s6 =	sadd.s32 s21, s4  }
0x9e: {  	[timem:s8], [sflag:s22] =	dma.local [hbm:s6], s20  }
0x9f: {  	_ =	swait.ge [sflag:s22], s20  }
0xa0: {  	s5 =	ssub.s32 $0x0, s20;
	[sflag:s22] =	ssyncset.done $0x0  }
0xa1: {  	[sflag:s22] =	ssyncadd.s32 s5;
	_ =	sdelay $0x1  }
0xa2: {  	s23 =	simm.s32 $0x1B8B  }
0xa3: {  	_ =	swait.ge [sflag:s23], $0x1  }
0xa4: {  	[sflag:s23] =	ssyncset.done $0x0  }
0xa5: {  	s25 =	simm.s32 $0x1B8E;
	s24 =	sld [smem:$0x3FFE];
	[sflag:s23] =	ssyncadd.s32 $0xFFFFFFFF  }
0xa6: {  	s26 =	simm.s32 $execute0_lowered;
	[smem:$0x3FD2] =	sst s25  }
0xa7: {  	s6 =	sshll.u32 s26, $0x1;
	_ =	strace $0x80000046;
	[dreg:$0x1] =	wrdreg $0xFFFFFFFF  }
0xa8: {  	s28 =	simm.s32 $_size_execute0_lowered;
	s4 =	sadd.s32 s4, s6;
	[dreg:$0x0] =	wrdreg $0x0  }
0xa9: {  	s6 =	sshll.u32 s28, $0x1;
	[dreg:$0x2] =	wrdreg s4  }
0xaa: {  	[dreg:$0x3] =	wrdreg s6  }
0xab: {  	[dreg:$0x4] =	wrdreg $0xC0  }
0xac: {  	_ =	task [dreg:s8], $0x5FFFF  }
0xad: {  	[dreg:$0x1] =	wrdreg $0xFFFFFFFF  }
0xae: {  	[dreg:$0x0] =	wrdreg $0x60  }
0xaf: {  	[dreg:$0x2] =	wrdreg s2  }
0xb0: {  	[dreg:$0x3] =	wrdreg s18  }
0xb1: {  	[dreg:$0x4] =	wrdreg s24  }
0xb2: {  	[dreg:$0x5] =	wrdreg $0x9  }
0xb3: {  	_ =	task.clear_ibuf [dreg:s8], $0x6FFFF;
	_ =	strace $0x90000046  }
0xb4: {  	s29 =	simm.s32 $0x9;
	_ =	strace $0x80000048  }
0xb5: {  	_ =	swait.ge [sflag:s29], $0x1  }
0xb6: {  	[sflag:s29] =	ssyncadd.s32 $0xFFFFFFFF  }
0xb7: {  	_ =	strace $0x90000048  }
0xb8: {  	_ =	sfence  }
0xb9: {  	s30 =	sld [smem:$0x0];
	_ =	sdelay $0x2  }
0xba: {  	s31 =	sshll.u32 s1, $0xD;
	s1 =	sshrl.u32 s1, $0x2  }
0xbb: {  	s3 =	sand.u32 $0x4000, s31;
	s1 =	sadd.s32 s1, s30  }
0xbc: {  	s0 =	sor.u32 s3, s0;
	s1 =	sshll.u32 s1, $0x11  }
0xbd: {  	s0 =	sor.u32 s1, s0  }
0xbe: {  	s0 =	sadd.s32 $0x8F2B, s0  }
0xbf: {  	[sflag:s0] =	ssyncadd.remote.s32 $0x1  }
0xc0: {  	_ =	sfence.sel $0xFFFF  }
0xc1: {  	[dreg:$0x0] =	wrdreg $0xFFFFFFFF;
	(pc) =	sbr.abs _section_cstart, $3  }
0xc2: {  	[dreg:$0x1] =	wrdreg $0xFFFFFFFF  }
0xc3: {  	_ =	task.clear_ibuf [dreg:s8], $0x2FFFF;
	_ =	strace $0x9FFFFFFF  }
0xc4: {  	(tm) =	ssettm $0x7FFFFFFF  }
0xc5: {  	_ =	shalt  }
tec
execute0_lowered:
.L_overlay_start_1:
0x0: {  	(tag) =	ssettag $0x1  }
0x1: {  	s1 =	rddreg [dreg:$0x0]  }
0x2: {  	s2 =	rddreg [dreg:$0x1]  }
0x3: {  	s7 =	rddreg [dreg:$0x2]  }
0x4: {  	s0 =	rddreg [dreg:$0x3];
	s3 =	simm.s32 $0x0;
	s4 =	srdreg.scid  }
0x5: {  	s12 =	simm.s32 $0x2;
	s13 =	simm.s32 $0x8000;
	s14 =	simm.s32 $0xC000  }
0x6: {  	s15 =	simm.s32 $0x400;
	s16 =	simm.s32 $0xC400;
	s17 =	simm.s32 $0x1  }
0x7: {  	s18 =	simm.s32 $0x0;
	[smem:$0x7FF] =	sst s3;
	s8 =	sand.u32 $0x1, s4  }
.Ltmp0:
0x8: {  	s4 =	stileid.u32;
	s5 =	sadd.s32 $0xA00, s7;
	(pc) =	sbr.rel .LBB2_1-.Ltmp0, $4  }
0x9: {  	s6 =	sadd.s32 $0x1200, s7;
	s7 =	sadd.s32 $0x5200, s7;
	s9 =	ssub.s32 $0x2, s8  }
0xa: {  	_ =	strace $0x80000047;
	s11 =	sshll.u32 s4, $0x1;
	s10 =	sshrl.u32 s9, $0x1  }
0xb: {  	s8 =	sor.u32 s8, s11;
	s11 =	simm.s32 $0x200;
	s9 =	ssub.s32 s9, s10  }
0xc: {  	s8 =	smul.u32 $0x11, s8;
	s10 =	simm.s32 $0x80;
	s9 =	smax.u32 s9, $0x1  }
.LBB2_12:
0xd: {  	s18 =	sadd.s32 $0x1, s18  }
0xe: {  	p0 =	sne.s32 s18, s9  }
.Ltmp1:
0xf: {  	_ = 	snop;
	(pc) =	sbr.rel @!p0 .LBB2_13-.Ltmp1, $1  }
0x10: {  	_ =	sdelay $0x3  }
.LBB2_1:
.Ltmp2:
0x11: {  	(pc) =	sbr.rel .LBB2_2-.Ltmp2, $2  }
0x12: {  	_ =	sdelay $0x2  }
0x13: {  	s19 =	simm.s32 $0x0  }
.LBB2_9:
0x14: {  	v1 =	vld [tilespmem:s24+$0x0];
	_ =	sdelay $0x6  }
0x15: {  	[tilespmem:s23+$0xC400] =	vst v0  }
0x16: {  	v0 =	vld.idx.msk [tilespmem:v1+s13+$0x0], $0xffff;
	_ =	sdelay $0x4  }
0x17: {  	[tilespmem:s24+$0xC400] =	vst v0  }
.LBB2_10:
0x18: {  	s20 =	smul.u32 $0x440000, s20;
	s21 =	sshll.u32 s21, $0xF  }
0x19: {  	s21 =	sand.u32 $0x7C0000, s21  }
0x1a: {  	s31 =	sand.u32 $0x380, s22;
	s20 =	sadd.s32 s20, s21  }
0x1b: {  	s20 =	sor.u32 s31, s20  }
0x1c: {  	s20 =	sshrl.u32 s20, $0x3  }
0x1d: {  	s20 =	sadd.s32 s7, s20  }
0x1e: {  	[hbm4b:s20+s10] =	stream.strided.scatter [tilespmem:s16], [sflag:$0x1], $0x8000, s15, s10, $0x38;
	[tilespmem:$0x14400] =	vst v63  }
0x1f: {  	_ =	swait.ge [sflag:s17], $0x8000  }
0x20: {  	[sflag:s17] =	ssyncset.done $0x0  }
0x21: {  	[sflag:s17] =	ssyncadd.s32 $0xFFFF8000  }
.LBB2_11:
0x22: {  	s19 =	sadd.s32 $0x1, s19  }
0x23: {  	p0 =	sne.s32 s19, $0x11  }
.Ltmp3:
0x24: {  	_ = 	snop;
	(pc) =	sbr.rel @!p0 .LBB2_12-.Ltmp3, $1  }
0x25: {  	_ =	sdelay $0x3  }
.LBB2_2:
0x26: {  	s21 =	sadd.s32 s8, s19  }
0x27: {  	p0 =	sgt.u32 s21, $0x20B  }
.Ltmp4:
0x28: {  	_ = 	snop;
	(pc) =	sbr.rel @p0 .LBB2_11-.Ltmp4, $1  }
0x29: {  	_ =	sdelay $0x3  }
0x2a: {  	s22 =	smul.u32 $0x3E89, s21;
	_ =	sdelay $0x1  }
0x2b: {  	s20 =	sshrl.u32 s22, $0x15  }
0x2c: {  	s23 =	smul.u32 $0x83, s20;
	_ =	sdelay $0x1  }
0x2d: {  	s31 =	ssub.s32 s21, s23  }
0x2e: {  	s22 =	sshrl.u32 s22, $0x11;
	s21 =	sand.u32 $0xFFFF, s31  }
0x2f: {  	s22 =	sand.u32 $0x30, s22;
	p0 =	sgt.u32 s21, $0x2  }
.Ltmp5:
0x30: {  	s22 =	sadd.s32 s6, s22;
	(pc) =	sbr.rel @p0 .LBB2_7-.Ltmp5, $4  }
0x31: {  	[tilespmem:s3], [sflag:$0x2] =	stream.strided.gather [hbm4b:s22+s10], $0x8000, s11, s10, $0x38;
	[tilespmem:$0x14400] =	vst v63  }
0x32: {  	_ =	swait.ge [sflag:s12], $0x8000  }
0x33: {  	[sflag:s12] =	ssyncset.done $0x0  }
0x34: {  	s22 =	sshll.u32 s21, $0x7;
	[sflag:s12] =	ssyncadd.s32 $0xFFFF8000  }
0x35: {  	s23 =	sshll.u32 s20, $0x10;
	s22 =	sshll.u32 s21, $0x7  }
0x36: {  	s23 =	sor.u32 s22, s23  }
0x37: {  	s23 =	sshrl.u32 s23, $0x3  }
0x38: {  	s24 =	sshll.u32 s20, $0xC;
	s23 =	sadd.s32 s2, s23  }
0x39: {  	[tilespmem:s13], [sflag:$0x2] =	stream.strided.gather [hbm4b:s23+s10], $0x4000, s11, s10, $0x38;
	[tilespmem:$0x14400] =	vst v63  }
0x3a: {  	s30 =	sor.u32 s22, s24;
	_ =	swait.ge [sflag:s12], $0x4000  }
0x3b: {  	s23 =	sshrl.u32 s30, $0x3;
	[sflag:s12] =	ssyncset.done $0x0  }
0x3c: {  	s23 =	sadd.s32 s5, s23;
	[sflag:s12] =	ssyncadd.s32 $0xFFFFC000  }
0x3d: {  	[tilespmem:s14], [sflag:$0x2] =	stream.strided.gather [hbm4b:s23+s10], $0x400, s11, s10, $0x38;
	[tilespmem:$0x14400] =	vst v63  }
0x3e: {  	_ =	swait.ge [sflag:s12], $0x400  }
0x3f: {  	s31 =	simm.s32 $0x0;
	[sflag:s12] =	ssyncset.done $0x0  }
0x40: {  	v0 =	vmov s31;
	[sflag:s12] =	ssyncadd.s32 $0xFFFFFC00  }
0x41: {  	v0 =	vshrl.u32 v0, $0x5;
	v1 =	vld [tilespmem:s31+$0x0]  }
0x42: {  	v0 =	vbroadcast v0, $0x0;
	_ =	sdelay $0x5  }
0x43: {  	v0 =	vld.idx.msk [tilespmem:v0+s14+$0x0], $0xffff  }
0x44: {  	v1 =	vld.idx.msk [tilespmem:v1+s13+$0x0], $0xffff;
	_ =	sdelay $0x4  }
0x45: {  	v0 =	vsub.f32 v1, v0  }
0x46: {  	s24 =	simm.s32 $0x10;
	s23 =	simm.s32 $0xC400  }
0x47: {  	v1 =	vmov s24;
	[tilespmem:s23+$0x0] =	vst v0  }
0x48: {  	s25 =	simm.s32 $0x20;
	v1 =	vshrl.u32 v1, $0x5;
	v0 =	vld [tilespmem:s24+$0x0]  }
.LBB2_5:
0x49: {  	p0 =	seq.s32 s25, $0x7FF0;
	v1 =	vbroadcast v1, $0x0;
	_ =	sdelay $0x5  }
0x4a: {  	v1 =	vld.idx.msk [tilespmem:v1+s14+$0x0], $0xffff  }
0x4b: {  	v0 =	vld.idx.msk [tilespmem:v0+s13+$0x0], $0xffff;
	_ =	sdelay $0x4  }
.Ltmp6:
0x4c: {  	(pc) =	sbr.rel @!p0 .LBB2_5-.Ltmp6, $4  }
0x4d: {  	v0 =	vsub.f32 v0, v1  }
0x4e: {  	s23 =	sadd.s32 $0x10, s23  }
0x4f: {  	s24 =	sadd.s32 $0x10, s24;
	v1 =	vmov s25;
	[tilespmem:s23+$0x0] =	vst v0  }
0x50: {  	s25 =	sadd.s32 $0x10, s25;
	v1 =	vshrl.u32 v1, $0x5;
	v0 =	vld [tilespmem:s24+$0x0]  }
0x51: {  	_ =	sdelay $0x2  }
0x52: {  	v1 =	vbroadcast v1, $0x0;
	_ =	sdelay $0x4  }
0x53: {  	v0 =	vld.idx.msk [tilespmem:v0+s13+$0x0], $0xffff  }
0x54: {  	v1 =	vld.idx.msk [tilespmem:v1+s14+$0x0], $0xffff;
	_ =	sdelay $0x2  }
.Ltmp7:
0x55: {  	_ = 	snop;
	(pc) =	sbr.rel .LBB2_10-.Ltmp7, $4  }
0x56: {  	_ = 	snop  }
0x57: {  	v0 =	vsub.f32 v0, v1  }
0x58: {  	s23 =	sadd.s32 $0x10, s23  }
0x59: {  	[tilespmem:s23+$0x0] =	vst v0  }
.LBB2_7:
0x5a: {  	s23 =	sadd.s32 $0xFFFFFFFD, s21  }
0x5b: {  	s24 =	sshll.u32 s23, $0xE  }
0x5c: {  	s25 =	sshll.u32 s20, $0x15;
	s23 =	sshll.u32 s23, $0x7;
	s24 =	sand.u32 $0x7FFE0000, s24  }
0x5d: {  	s23 =	sand.u32 $0x380, s23;
	s24 =	sadd.s32 s25, s24  }
0x5e: {  	s23 =	sor.u32 s23, s24  }
0x5f: {  	s23 =	sshrl.u32 s23, $0x3  }
0x60: {  	s23 =	sadd.s32 s1, s23  }
0x61: {  	[tilespmem:s13], [sflag:$0x2] =	stream.strided.gather [hbm4b:s23+s10], $0x4000, s15, s10, $0x38;
	[tilespmem:$0x14400] =	vst v63  }
0x62: {  	_ =	swait.ge [sflag:s12], $0x4000  }
0x63: {  	[sflag:s12] =	ssyncset.done $0x0  }
0x64: {  	s23 =	simm.s32 $0x0;
	[sflag:s12] =	ssyncadd.s32 $0xFFFFC000  }
0x65: {  	v0 =	vld [tilespmem:s23+$0x0];
	_ =	sdelay $0x7  }
0x66: {  	s25 =	simm.s32 $0x80;
	s24 =	simm.s32 $0x10;
	v0 =	vld.idx.msk [tilespmem:v0+s13+$0x0], $0xffff  }
.LBB2_8:
0x67: {  	p0 =	sne.s32 s25, $0x1FFC0;
	v1 =	vld [tilespmem:s24+$0x0];
	_ =	sdelay $0x3  }
.Ltmp8:
0x68: {  	(pc) =	sbr.rel @p0 .LBB2_8-.Ltmp8, $2  }
0x69: {  	[tilespmem:s23+$0xC400] =	vst v0;
	s23 =	smov.u32 s24;
	_ =	sdelay $0x2  }
0x6a: {  	s24 =	sshra.s32 s25, $0x2;
	s25 =	sadd.s32 $0x40, s25;
	v0 =	vld.idx.msk [tilespmem:v1+s13+$0x0], $0xffff  }
.Ltmp9:
0x6b: {  	_ = 	snop;
	(pc) =	sbr.rel .LBB2_9-.Ltmp9, $1  }
0x6c: {  	_ =	sdelay $0x3  }
.LBB2_13:
0x6d: {  	_ =	sfence.sel $0x180000  }
0x6e: {  	[bflag:$0x0] =	sbarrier.arrive $0xFFFF  }
0x6f: {  	p0 =	sne.s32 s4, $0x0;
	_ =	strace $0x90000047  }
0x70: {  	s0 =	sadd.s32 @!p0 $0x100000, s0;
	[bflag:$0x2] =	sbarrier.arrive $0xFFFF  }
0x71: {  	[sflag:s0] =	ssyncadd.tile.s32 @!p0 $0x1;
	_ =	shalt  }
.Lfunc_end2:
_tile_overlayer_lowered:
.L_overlay_start_2:
0x72: {  	(tag) =	ssettag $0x2  }
0x73: {  	s0 =	rddreg [dreg:$0x0];
	s2 =	stileid.u32  }
0x74: {  	s1 =	rddreg [dreg:$0x1];
	p0 =	sne.s32 s2, $0x0  }
0x75: {  	s3 =	rddreg [dreg:$0x2];
	[bflag:$0x3] =	sbarrier.arrive $0xFFFF;
	s2 =	simm.s32 @!p0 $0x1C01  }
0x76: {  	[timem:s3], [sflag:s2] =	dma.local @!p0 [hbm:s0], s1  }
0x77: {  	s0 =	simm.s32 @!p0 $0x1  }
0x78: {  	_ =	swait.ge @!p0 [sflag:s0], s1  }
0x79: {  	s1 =	ssub.s32 @!p0 $0x0, s1;
	[sflag:s0] =	ssyncset.done @!p0 $0x0  }
0x7a: {  	[sflag:s0] =	ssyncadd.s32 @!p0 s1  }
0x7b: {  	[bflag:$0x3] =	sbarrier.arrive $0xFFFF  }
0x7c: {  	_ =	shalt  }

// kernel: sparse-core-data-format-call.cloned.1.call-start
scs
called_computation_lowered:
.L_overlay_start_0:
0x0: {  	s2 =	sld [smem:$0x3FD9]  }
0x1: {  	s3 =	sld [smem:$0x3FFE];
	_ =	sdelay $0x1  }
0x2: {  	s1 =	srdreg.scid  }
0x3: {  	s0 =	sand.u32 $0x1, s1  }
0x4: {  	s18 =	sshll.u32 s0, $0xA;
	s2 =	sadd.s32 s3, s2  }
0x5: {  	s2 =	sadd.s32 s2, s18  }
0x6: {  	[smem:$0x3FC5] =	sst s2  }
0x7: {  	_ = 	snop  }
0x8: {  	s2 =	sld [smem:$0x3FD0];
	(tm) =	ssettm $0x1  }
0x9: {  	s19 =	sld [smem:$0x3FFB];
	_ =	sdelay $0x3  }
0xa: {  	_ =	strace s19  }
0xb: {  	s3 =	sld [smem:$0x3FFC];
	_ =	sdelay $0x3  }
0xc: {  	_ =	strace s3  }
0xd: {  	s3 =	sld [smem:$0x3FFD];
	_ =	sdelay $0x3  }
0xe: {  	_ =	strace s3  }
0xf: {  	_ =	strace $0x8FFFFFFF  }
0x10: {  	s20 =	sld [smem:$0x3FDB];
	_ =	sdelay $0x1  }
0x11: {  	s4 =	simm.s32 $_scs_section_size  }
0x12: {  	s5 =	simm.s32 $_size__tile_overlayer_lowered;
	s6 =	simm.s32 $_tile_overlayer_lowered  }
0x13: {  	s23 =	simm.s32 $0x1BFF;
	s22 =	sshll.u32 s6, $0x1;
	s3 =	sadd.s32 s4, s20  }
0x14: {  	s7 =	simm.s32 $0x0;
	s21 =	sshll.u32 s5, $0x1;
	s5 =	sadd.s32 s22, s3  }
0x15: {  	[timem:s7], [sflag:s23] =	dma.local [hbm:s5], s21  }
0x16: {  	_ =	swait.ge [sflag:s23], s21  }
0x17: {  	s4 =	ssub.s32 $0x0, s21;
	[sflag:s23] =	ssyncset.done $0x0  }
0x18: {  	[sflag:s23] =	ssyncadd.s32 s4;
	_ =	sdelay $0x1  }
0x19: {  	s24 =	simm.s32 $0x1B8B  }
0x1a: {  	_ =	swait.ge [sflag:s24], $0x1  }
0x1b: {  	[sflag:s24] =	ssyncset.done $0x0  }
0x1c: {  	s26 =	simm.s32 $0x1B8E;
	s25 =	sld [smem:$0x3FFE];
	[sflag:s24] =	ssyncadd.s32 $0xFFFFFFFF  }
0x1d: {  	s27 =	simm.s32 $execute0_lowered;
	[smem:$0x3FD2] =	sst s26  }
0x1e: {  	s5 =	sshll.u32 s27, $0x1;
	_ =	strace $0x80000049;
	[dreg:$0x1] =	wrdreg $0xFFFFFFFF  }
0x1f: {  	s28 =	simm.s32 $_size_execute0_lowered;
	s3 =	sadd.s32 s3, s5;
	[dreg:$0x0] =	wrdreg $0x0  }
0x20: {  	s5 =	sshll.u32 s28, $0x1;
	[dreg:$0x2] =	wrdreg s3  }
0x21: {  	[dreg:$0x3] =	wrdreg s5  }
0x22: {  	[dreg:$0x4] =	wrdreg $0xC0  }
0x23: {  	_ =	task [dreg:s7], $0x5FFFF  }
0x24: {  	[dreg:$0x1] =	wrdreg $0xFFFFFFFF  }
0x25: {  	[dreg:$0x0] =	wrdreg $0x60  }
0x26: {  	[dreg:$0x2] =	wrdreg s25  }
0x27: {  	[dreg:$0x3] =	wrdreg s2  }
0x28: {  	[dreg:$0x4] =	wrdreg $0x9  }
0x29: {  	_ =	task.clear_ibuf [dreg:s7], $0x5FFFF;
	_ =	strace $0x90000049  }
0x2a: {  	s29 =	simm.s32 $0x9;
	_ =	strace $0x8000004B  }
0x2b: {  	_ =	swait.ge [sflag:s29], $0x1  }
0x2c: {  	[sflag:s29] =	ssyncadd.s32 $0xFFFFFFFF  }
0x2d: {  	_ =	strace $0x9000004B  }
0x2e: {  	_ =	sfence  }
0x2f: {  	s30 =	sld [smem:$0x0];
	_ =	sdelay $0x2  }
0x30: {  	s31 =	sshll.u32 s1, $0xD;
	s1 =	sshrl.u32 s1, $0x2  }
0x31: {  	s3 =	sand.u32 $0x4000, s31;
	s1 =	sadd.s32 s1, s30  }
0x32: {  	s0 =	sor.u32 s3, s0;
	s1 =	sshll.u32 s1, $0x11  }
0x33: {  	s0 =	sor.u32 s1, s0  }
0x34: {  	s0 =	sadd.s32 $0x8F2B, s0  }
0x35: {  	[sflag:s0] =	ssyncadd.remote.s32 $0x1  }
0x36: {  	_ =	sfence.sel $0xFFFF  }
0x37: {  	[dreg:$0x0] =	wrdreg $0xFFFFFFFF;
	(pc) =	sbr.abs _section_cstart, $3  }
0x38: {  	[dreg:$0x1] =	wrdreg $0xFFFFFFFF  }
0x39: {  	_ =	task.clear_ibuf [dreg:s7], $0x2FFFF;
	_ =	strace $0x9FFFFFFF  }
0x3a: {  	(tm) =	ssettm $0x7FFFFFFF  }
0x3b: {  	_ =	shalt  }
tec
execute0_lowered:
.L_overlay_start_1:
0x0: {  	(tag) =	ssettag $0x1  }
0x1: {  	s0 =	stileid.u32;
	s4 =	rddreg [dreg:$0x0]  }
0x2: {  	s1 =	srdreg.scid;
	s3 =	rddreg [dreg:$0x1];
	s7 =	simm.s32 $0x1  }
0x3: {  	s31 =	simm.s32 $0x2;
	s19 =	simm.s32 $0x0;
	s9 =	simm.s32 $0x8000  }
0x4: {  	s21 =	simm.s32 $0x0;
	s20 =	simm.s32 $0x0;
	s22 =	simm.s32 $0x0  }
0x5: {  	s10 =	simm.s32 $0x0;
	s2 =	sshll.u32 s0, $0x5;
	s1 =	sshll.u32 s1, $0x9  }
0x6: {  	s11 =	simm.s32 $0x0;
	s12 =	simm.s32 $0x0;
	s1 =	sor.u32 s2, s1  }
0x7: {  	s13 =	simm.s32 $0x0;
	s14 =	simm.s32 $0x0;
	s2 =	sand.u32 $0x380, s1  }
0x8: {  	s15 =	simm.s32 $0x0;
	s18 =	simm.s32 $0x0;
	s5 =	ssub.s32 $0x400, s2  }
0x9: {  	s4 =	sadd.s32 $0x225200, s4;
	s1 =	rddreg [dreg:$0x2];
	s6 =	sand.u32 $0x380, s5  }
.Ltmp0:
0xa: {  	_ =	strace $0x8000004A;
	p0 =	sne.s32 s6, $0x0;
	(pc) =	sbr.rel .LBB1_1-.Ltmp0, $4  }
0xb: {  	s16 =	smov.u32 s2;
	s8 =	sshrl.u32 s5, $0xA;
	s7 =	simm.s32 @!p0 $0x0  }
0xc: {  	s5 =	sand.u32 $0x3, s0;
	s6 =	simm.s32 $0x1;
	s7 =	sadd.s32 s7, s8  }
0xd: {  	s17 =	smov.u32 s5;
	[sflag:s6] =	ssyncpa.u1 $0x0;
	s7 =	sshll.u32 s7, $0x6  }
0xe: {  	p0 =	por $0x0, $0x0;
	[sflag:s31] =	ssyncpa.u1 $0x0;
	s8 =	sor.u32 $0x1, s7  }
.LBB1_4:
0xf: {  	[tilespmem:s25+$0x2040 ss:$0x81] =	vst.msk $0xffff, v4  }
0x10: {  	s28 =	sshll.u32 s11, $0xA;
	[tilespmem:s25+$0x2850 ss:$0x81] =	vst.msk $0xffff, v3  }
0x11: {  	s27 =	sshra.s32 s27, $0x2;
	s29 =	sshll.u32 s12, $0x3;
	p1 =	sgt.s32 s13, $0x3;
	[tilespmem:s25+$0x3060 ss:$0x81] =	vst.msk $0xffff, v2  }
0x12: {  	s30 =	smov.u32 s13;
	s31 =	sshra.s32 s13, $0x1F;
	[tilespmem:s25+$0x0 ss:$0x81] =	vst.msk $0xffff, v0;
	s25 =	sand.u32 $0x78, s12  }
0x13: {  	s28 =	sand.u32 $0x6000, s28;
	s29 =	sand.u32 $0x7C00, s29;
	s30 =	simm.s32 @!p1 $0x3  }
0x14: {  	s31 =	sand.u32 s31, s13;
	s26 =	sadd.s32 s27, s26;
	p1 =	sgt.s32 s12, $0x380  }
0x15: {  	s27 =	sadd.s32 s29, s28;
	s28 =	ssub.s32 s30, s31;
	s30 =	smov.u32 s12  }
0x16: {  	s31 =	sshra.s32 s12, $0x1F;
	s29 =	sadd.s32 $0xFFFFFFFD, s28;
	s30 =	simm.s32 @!p1 $0x380  }
0x17: {  	p1 =	sgt.s32 s11, $0x1F;
	p2 =	sgt.s32 s29, $0x0;
	s29 =	sand.u32 s31, s12  }
0x18: {  	s31 =	smov.u32 s11;
	s29 =	ssub.s32 s30, s29;
	s30 =	sshra.s32 s11, $0x1F  }
0x19: {  	s28 =	ssub.s32 $0x4, s28;
	s31 =	simm.s32 @!p1 $0x1F;
	s30 =	sand.u32 s30, s11  }
0x1a: {  	s28 =	simm.s32 @p2 $0x0;
	s30 =	ssub.s32 s31, s30;
	s31 =	sadd.s32 $0xFFFFFC80, s29  }
0x1b: {  	v5 =	vld [tilespmem:s24+$0xFFFFFFD0];
	s29 =	ssub.s32 $0x400, s29;
	p1 =	sgt.s32 s31, $0x7F;
	s31 =	sadd.s32 $0xFFFFFFE1, s30  }
0x1c: {  	v58 =	vld [tilespmem:s24+$0xFFFFFFE0];
	p2 =	sgt.s32 s10, $0x3;
	s29 =	simm.s32 @p1 $0x0;
	p1 =	sgt.s32 s31, $0x0  }
0x1d: {  	v59 =	vld [tilespmem:s24+$0xFFFFFFF0];
	s31 =	smov.u32 s10;
	s28 =	smul.u32 s28, s29;
	s29 =	sshra.s32 s10, $0x1F  }
0x1e: {  	v60 =	vld [tilespmem:s24+$0x0];
	s30 =	ssub.s32 $0x20, s30;
	s31 =	simm.s32 @!p2 $0x3;
	s29 =	sand.u32 s29, s10  }
0x1f: {  	v61 =	vld [tilespmem:s24+$0x10];
	[tilespmem:s26+$0x3870 ss:$0x81] =	vst.msk $0xffff, v1;
	s30 =	simm.s32 @p1 $0x0;
	s29 =	ssub.s32 s31, s29;
	s31 =	sshll.u32 s11, $0x7  }
0x20: {  	v62 =	vld [tilespmem:s24+$0x20];
	s27 =	sshrl.u32 s27, $0x3;
	[tilespmem:s26+$0x810 ss:$0x81] =	vst.msk $0xffff, v5;
	s28 =	smul.u32 s30, s28;
	s31 =	sand.u32 $0x380, s31  }
0x21: {  	v63 =	vld [tilespmem:s24+$0xFFFFFFC0];
	[tilespmem:s26+$0x1020 ss:$0x81] =	vst.msk $0xffff, v58;
	s30 =	sadd.s32 $0xFFFFFFFD, s29;
	s24 =	ssub.s32 $0x83, s29;
	s29 =	smul.u32 $0x83000, s13  }
0x22: {  	[tilespmem:s26+$0x1830 ss:$0x81] =	vst.msk $0xffff, v59;
	p1 =	sgt.s32 s30, $0x7F;
	s25 =	sor.u32 s25, s31;
	s30 =	sshll.u32 s10, $0xC  }
0x23: {  	[tilespmem:s26+$0x2040 ss:$0x81] =	vst.msk $0xffff, v60;
	s31 =	sand.u32 $0x7, s12;
	s24 =	simm.s32 @p1 $0x0;
	s29 =	sadd.s32 s3, s29  }
0x24: {  	[tilespmem:s26+$0x2850 ss:$0x81] =	vst.msk $0xffff, v61;
	s25 =	sshrl.u32 s25, $0x3;
	s24 =	smul.u32 s24, s28;
	s28 =	sadd.s32 s30, s29  }
0x25: {  	s27 =	sand.u32 $0xF80, s27;
	[tilespmem:s26+$0x3060 ss:$0x81] =	vst.msk $0xffff, v62;
	s30 =	sshll.u32 s31, $0x12;
	s25 =	sadd.s32 s25, s28  }
0x26: {  	[tilespmem:s26+$0x0 ss:$0x81] =	vst.msk $0xffff, v63;
	s31 =	sor.u32 $0x80, s30;
	s24 =	sand.u32 $0x3FFFFFFF, s24;
	s25 =	sadd.s32 s27, s25  }
0x27: {  	[hbm4b:s25+s31] =	stream.strided.scatter [tilespmem:s23], [sflag:$0x2], s24, s9, s31, $0x20;
	[tilespmem:$0x10100] =	vst v63  }
.LBB1_5:
0x28: {  	p1 =	slt.u32 s18, $0x2  }
0x29: {  	p2 =	sgt.s32 @!p1 s22, $0x3  }
0x2a: {  	s23 =	smov.u32 s22;
	s24 =	sshra.s32 @!p1 s22, $0x1F;
	p2 =	por !p2, p1  }
0x2b: {  	s22 =	sand.u32 @!p1 s24, s22;
	s23 =	simm.s32 @p2 $0x3  }
0x2c: {  	s25 =	smov.u32 s16;
	s22 =	ssub.s32 @!p1 s23, s22  }
0x2d: {  	s26 =	smov.u32 s17;
	p0 =	por !p0, !p0;
	s23 =	sadd.s32 @!p1 $0xFFFFFFFD, s22  }
0x2e: {  	p3 =	sgt.s32 @!p1 s21, $0x1F;
	s24 =	sshra.s32 @!p1 s21, $0x1F;
	p2 =	sgt.s32 @!p1 s23, $0x0  }
0x2f: {  	s23 =	smov.u32 s21;
	s21 =	sand.u32 @!p1 s24, s21;
	s24 =	sshra.s32 @!p1 s19, $0x1F  }
0x30: {  	s22 =	ssub.s32 @!p1 $0x4, s22;
	p2 =	por !p2, p1;
	s24 =	sand.u32 @!p1 s24, s19  }
0x31: {  	s22 =	simm.s32 @!p2 $0x0;
	p2 =	por !p3, p1;
	p3 =	sgt.s32 @!p1 s19, $0x3  }
0x32: {  	s23 =	simm.s32 @p2 $0x1F;
	p2 =	sgt.s32 @!p1 s20, $0x380;
	p3 =	por !p3, p1  }
0x33: {  	s21 =	ssub.s32 @!p1 s23, s21;
	s23 =	sshra.s32 @!p1 s20, $0x1F;
	p2 =	por !p2, p1  }
0x34: {  	s19 =	simm.s32 @p3 $0x3;
	s23 =	sand.u32 @!p1 s23, s20;
	s20 =	simm.s32 @p2 $0x380  }
0x35: {  	s19 =	ssub.s32 @!p1 s19, s24;
	s20 =	ssub.s32 @!p1 s20, s23;
	s23 =	sadd.s32 @!p1 $0xFFFFFFE1, s21  }
0x36: {  	s24 =	sadd.s32 @!p1 $0xFFFFFFFD, s19;
	p2 =	sgt.s32 @!p1 s23, $0x0;
	s23 =	sadd.s32 @!p1 $0xFFFFFC80, s20  }
0x37: {  	s21 =	ssub.s32 @!p1 $0x20, s21;
	s20 =	ssub.s32 @!p1 $0x400, s20;
	p3 =	sgt.s32 @!p1 s23, $0x7F  }
0x38: {  	p2 =	por !p2, p1;
	s23 =	sadd.s32 $0x80, s14;
	p3 =	por !p3, p1  }
0x39: {  	s21 =	simm.s32 @!p2 $0x0;
	p2 =	sgt.s32 s23, $0x82;
	s20 =	simm.s32 @!p3 $0x0  }
0x3a: {  	p3 =	sgt.s32 @!p1 s24, $0x7F;
	s20 =	smul.u32 @!p1 s22, s20;
	s22 =	simm.s32 $0x1  }
0x3b: {  	s19 =	ssub.s32 @!p1 $0x83, s19;
	p3 =	por !p3, p1;
	s22 =	simm.s32 @!p2 $0x0  }
0x3c: {  	s27 =	simm.s32 @!p1 $0x2;
	s19 =	simm.s32 @!p3 $0x0;
	s24 =	sadd.s32 s22, s15  }
0x3d: {  	s20 =	smul.u32 @!p1 s21, s20;
	s21 =	sadd.s32 $0x400, s16;
	p3 =	sgt.s32 s24, $0x1F  }
0x3e: {  	s23 =	simm.s32 @p2 $0x0;
	s22 =	smov.u32 s13;
	s25 =	smov.u32 @p3 s21  }
0x3f: {  	s19 =	smul.u32 @!p1 s19, s20;
	s20 =	sadd.s32 $0x4, s17;
	p2 =	sgt.s32 s25, $0x3FF  }
0x40: {  	s13 =	smov.u32 s17;
	s24 =	simm.s32 @p3 $0x0;
	s26 =	smov.u32 @p2 s20  }
0x41: {  	s21 =	smov.u32 s11;
	s25 =	smov.u32 @p2 s2;
	p2 =	sgt.s32 s26, $0x3  }
0x42: {  	s11 =	smov.u32 s15;
	s26 =	smov.u32 @p2 s5;
	p2 =	sne.s32 s18, s8  }
.Ltmp1:
0x43: {  	s15 =	smov.u32 s24;
	s19 =	sand.u32 @!p1 $0x3FFFFFFF, s19;
	(pc) =	sbr.rel @!p2 .LBB1_6-.Ltmp1, $4  }
0x44: {  	s20 =	smov.u32 s12;
	s12 =	smov.u32 s16;
	_ =	swait.ge @!p1 [sflag:s27], s19  }
0x45: {  	s28 =	ssub.s32 @!p1 $0x0, s19;
	s19 =	smov.u32 s10;
	s10 =	smov.u32 s14  }
0x46: {  	s14 =	smov.u32 s23;
	s16 =	smov.u32 s25;
	[sflag:s27] =	ssyncset.done @!p1 $0x0  }
0x47: {  	s18 =	sadd.s32 $0x1, s18;
	[sflag:s27] =	ssyncadd.s32 @!p1 s28;
	s17 =	smov.u32 s26  }
.LBB1_1:
0x48: {  	p1 =	sge.u32 s18, s7;
	s31 =	sadd.s32 $0xFFFFFFFF, s18  }
0x49: {  	s23 =	sxor.u32 @!p1 $0xFFFFFFFF, s18;
	s24 =	sand.u32 @!p1 $0x78, s14;
	s25 =	sshll.u32 @!p1 s15, $0x8  }
0x4a: {  	s26 =	sshll.u32 @!p1 s14, $0x3;
	s27 =	sshll.u32 @!p1 s15, $0x7;
	s23 =	sshll.u32 @!p1 s23, $0xE  }
0x4b: {  	s25 =	sand.u32 @!p1 $0x1800, s25;
	s26 =	sand.u32 @!p1 $0x1C00, s26;
	s23 =	sand.u32 @!p1 $0x4000, s23  }
0x4c: {  	s25 =	sadd.s32 @!p1 s25, s26;
	s26 =	sand.u32 @!p1 $0x300, s27;
	s27 =	sand.u32 @!p1 $0x80, s27  }
0x4d: {  	s25 =	sor.u32 @!p1 s26, s25;
	s24 =	sor.u32 @!p1 s24, s27;
	s26 =	sshll.u32 @!p1 s17, $0x14  }
0x4e: {  	s27 =	sshll.u32 @!p1 s16, $0xA;
	s25 =	sshrl.u32 @!p1 s25, $0x3;
	s26 =	sadd.s32 @!p1 s4, s26  }
0x4f: {  	s24 =	sshrl.u32 @!p1 s24, $0x3;
	s26 =	sadd.s32 @!p1 s27, s26;
	s27 =	sand.u32 @!p1 $0x7, s14  }
0x50: {  	s25 =	sand.u32 @!p1 $0x3E0, s25;
	s24 =	sadd.s32 @!p1 s24, s26;
	s26 =	sshll.u32 @!p1 s27, $0x12  }
0x51: {  	s24 =	sadd.s32 @!p1 s25, s24;
	s25 =	sor.u32 @!p1 $0x80, s26;
	s26 =	simm.s32 @!p1 $0x2000  }
0x52: {  	[tilespmem:s23], [sflag:$0x1] =	stream.strided.gather @!p1 [hbm4b:s24+s25], $0x4000, s26, s25, $0x38;
	[tilespmem:$0x10100] =	vst v63  }
0x53: {  	p1 =	sge.u32 s31, s7  }
.Ltmp2:
0x54: {  	_ = 	snop;
	(pc) =	sbr.rel @p1 .LBB1_5-.Ltmp2, $1  }
0x55: {  	_ =	sdelay $0x3  }
0x56: {  	s23 =	simm.s32 $0x1  }
0x57: {  	_ =	swait.ge [sflag:s6], $0x4000;
	s23 =	simm.s32 @!p0 $0x0  }
0x58: {  	[sflag:s6] =	ssyncset.done $0x0;
	s24 =	sshll.u32 s23, $0xE  }
0x59: {  	[sflag:s6] =	ssyncadd.s32 $0xFFFFC000;
	s24 =	sor.u32 $0x40, s24  }
0x5a: {  	s23 =	smul.u32 $0x10200, s23;
	v0 =	vld [tilespmem:s24+$0x30]  }
0x5b: {  	v1 =	vld [tilespmem:s24+$0xFFFFFFD0]  }
0x5c: {  	s23 =	sshrl.u32 s23, $0x2;
	v5 =	vld [tilespmem:s24+$0xFFFFFFE0]  }
0x5d: {  	v6 =	vld [tilespmem:s24+$0xFFFFFFF0];
	s26 =	sor.u32 $0x8000, s23  }
0x5e: {  	s31 =	sand.u32 $0x1, s18;
	v4 =	vld [tilespmem:s24+$0x0];
	s25 =	sadd.s32 $0x0, s26  }
0x5f: {  	v3 =	vld [tilespmem:s24+$0x10];
	s23 =	smul.u32 $0x10200, s31;
	[tilespmem:s25+$0x3870 ss:$0x81] =	vst.msk $0xffff, v0  }
0x60: {  	v2 =	vld [tilespmem:s24+$0x20];
	[tilespmem:s25+$0x810 ss:$0x81] =	vst.msk $0xffff, v1  }
0x61: {  	s23 =	sshrl.u32 s23, $0x2;
	v0 =	vld [tilespmem:s24+$0xFFFFFFC0];
	[tilespmem:s25+$0x1020 ss:$0x81] =	vst.msk $0xffff, v5;
	s24 =	sadd.s32 $0x80, s24  }
0x62: {  	s27 =	simm.s32 $0x4;
	s28 =	simm.s32 $0x8;
	s23 =	sor.u32 $0x8000, s23;
	[tilespmem:s25+$0x1830 ss:$0x81] =	vst.msk $0xffff, v6;
	v1 =	vld [tilespmem:s24+$0x30]  }
.LBB1_3:
0x63: {  	p1 =	sne.s32 s28, $0x1FC;
	v5 =	vld [tilespmem:s24+$0xFFFFFFD0];
	[tilespmem:s25+$0x2040 ss:$0x81] =	vst.msk $0xffff, v4  }
0x64: {  	v6 =	vld [tilespmem:s24+$0xFFFFFFE0];
	[tilespmem:s25+$0x2850 ss:$0x81] =	vst.msk $0xffff, v3  }
0x65: {  	s29 =	sshra.s32 s27, $0x2;
	s27 =	smov.u32 s28;
	v7 =	vld [tilespmem:s24+$0xFFFFFFF0];
	[tilespmem:s25+$0x3060 ss:$0x81] =	vst.msk $0xffff, v2  }
.Ltmp3:
0x66: {  	v4 =	vld [tilespmem:s24+$0x0];
	[tilespmem:s25+$0x0 ss:$0x81] =	vst.msk $0xffff, v0;
	s25 =	sadd.s32 s29, s26;
	(pc) =	sbr.rel @p1 .LBB1_3-.Ltmp3, $4  }
0x67: {  	v3 =	vld [tilespmem:s24+$0x10];
	[tilespmem:s25+$0x3870 ss:$0x81] =	vst.msk $0xffff, v1  }
0x68: {  	[tilespmem:s25+$0x810 ss:$0x81] =	vst.msk $0xffff, v5;
	v2 =	vld [tilespmem:s24+$0x20]  }
0x69: {  	v0 =	vld [tilespmem:s24+$0xFFFFFFC0];
	[tilespmem:s25+$0x1020 ss:$0x81] =	vst.msk $0xffff, v6;
	s24 =	sadd.s32 $0x80, s24  }
0x6a: {  	s28 =	sadd.s32 $0x4, s28;
	v1 =	vld [tilespmem:s24+$0x30];
	[tilespmem:s25+$0x1830 ss:$0x81] =	vst.msk $0xffff, v7  }
.Ltmp4:
0x6b: {  	_ = 	snop;
	(pc) =	sbr.rel .LBB1_4-.Ltmp4, $1  }
0x6c: {  	_ =	sdelay $0x3  }
.LBB1_6:
0x6d: {  	_ =	sfence.sel $0x180000  }
0x6e: {  	s2 =	simm.s32 $0x1;
	[bflag:$0x0] =	sbarrier.arrive $0xFFFF  }
0x6f: {  	s31 =	simm.s32 $0x2;
	[sflag:s2] =	ssyncpa.u1 $0x1  }
0x70: {  	[sflag:s31] =	ssyncpa.u1 $0x1  }
0x71: {  	p0 =	sne.s32 s0, $0x0;
	_ =	strace $0x9000004A  }
0x72: {  	s0 =	sadd.s32 @!p0 $0x100000, s1;
	[bflag:$0x2] =	sbarrier.arrive $0xFFFF  }
0x73: {  	[sflag:s0] =	ssyncadd.tile.s32 @!p0 $0x1;
	_ =	shalt  }
.Lfunc_end1:
_tile_overlayer_lowered:
.L_overlay_start_2:
0x74: {  	(tag) =	ssettag $0x2  }
0x75: {  	s0 =	rddreg [dreg:$0x0];
	s2 =	stileid.u32  }
0x76: {  	s1 =	rddreg [dreg:$0x1];
	p0 =	sne.s32 s2, $0x0  }
0x77: {  	s3 =	rddreg [dreg:$0x2];
	[bflag:$0x3] =	sbarrier.arrive $0xFFFF;
	s2 =	simm.s32 @!p0 $0x1C01  }
0x78: {  	[timem:s3], [sflag:s2] =	dma.local @!p0 [hbm:s0], s1  }
0x79: {  	s0 =	simm.s32 @!p0 $0x1  }
0x7a: {  	_ =	swait.ge @!p0 [sflag:s0], s1  }
0x7b: {  	s1 =	ssub.s32 @!p0 $0x0, s1;
	[sflag:s0] =	ssyncset.done @!p0 $0x0  }
0x7c: {  	[sflag:s0] =	ssyncadd.s32 @!p0 s1  }
0x7d: {  	[bflag:$0x3] =	sbarrier.arrive $0xFFFF  }
0x7e: {  	_ =	shalt  }

</sc_bundles>
